<compile_context>
chip_gen: v7x
topology: tpu7x:2x2x1
jax: 0.10.2.dev20260603
libtpu: 0.0.44.dev20260713+nightly
codegen_flags: <defaults>
</compile_context>

<pallas_src>
import functools

import jax
import jax.numpy as jnp
from jax import lax
from jax.experimental import pallas as pl
from jax.experimental.pallas import tpu as pltpu
from jax.experimental.pallas import tpu_sc as plsc

_B = 16384
_D = 1000
_NC = 2
_NS = 16
_NW = _NC * _NS
_RW = _B // _NW
_C = 128
_NCH = _RW // _C

_mesh = plsc.VectorSubcoreMesh(core_axis_name="c", subcore_axis_name="s")


@functools.partial(
    pl.kernel,
    mesh=_mesh,
    out_type=jax.ShapeDtypeStruct((_D, _B), jnp.float32),
    scratch_types=[
        pltpu.VMEM((_RW,), jnp.int32),
        pltpu.VMEM((_D, _C), jnp.float32),
        pltpu.SemaphoreType.DMA,
    ],
    compiler_params=pltpu.CompilerParams(needs_layout_passes=False),
)
def _sc_onehot_t(x_hbm, out_hbm, idx_v, buf, sem):
    wid = lax.axis_index("s") * _NC + lax.axis_index("c")
    base = wid * _RW
    idx_cp = pltpu.async_copy(x_hbm.at[pl.ds(base, _RW)], idx_v, sem)

    zeros = jnp.zeros((16,), jnp.float32)

    def zero_body(r, carry):
        for k in range(_C // 16):
            buf[r, pl.ds(k * 16, 16)] = zeros
        return carry

    lax.fori_loop(0, _D, zero_body, 0)
    idx_cp.wait()

    ones = jnp.ones((16,), jnp.float32)
    col16 = lax.broadcasted_iota(jnp.int32, (16,), 0)

    def chunk_body(c, carry):
        col0 = pl.multiple_of(base + c * _C, 128)
        groups = []
        for g in range(_C // 16):
            cols = col16 + (g * 16)
            cls = idx_v[pl.ds(c * _C + g * 16, 16)]
            plsc.store_scatter(buf, [cls, cols], ones)
            groups.append((cls, cols))
        pltpu.sync_copy(buf, out_hbm.at[:, pl.ds(col0, _C)])
        for cls, cols in groups:
            plsc.store_scatter(buf, [cls, cols], zeros)
        return carry

    lax.fori_loop(0, _NCH, chunk_body, 0)


def kernel(x):
    x = x.reshape(_B).astype(jnp.int32)
    return _sc_onehot_t(x).T

# --- scband reference (transcript-rebuilt; emitter-appended) ---
"""Pipeline reference for scband-one-hot-encoder-3564822855783 (READ-ONLY COPY).

The authoritative reference and input builder live on the scoring server;
editing this copy changes nothing except your own understanding.
"""

import jax, jax.numpy as jnp
import numpy as np

NUM_CLASSES = 1000

def setup_inputs(seed: int = 0) -> dict:
    key = jax.random.key(seed)
    x = jax.random.randint(key, (16384, 1), 0, NUM_CLASSES, dtype=jnp.int64)
    return {"x": x}

def reference(x) -> jnp.ndarray:
    # Faithful translation of OneHotEncoder.forward
    if x.ndim == 2 and x.shape[-1] == 1:
        x = jnp.squeeze(x, axis=-1)
    if x.dtype not in (jnp.int64, jnp.int32):
        x = x.astype(jnp.int64)
    one_hot_output = jax.nn.one_hot(x, NUM_CLASSES, dtype=jnp.float32)
    return one_hot_output

if __name__ == "__main__":
    import jax
    _d = setup_inputs()
    print(jax.jit(kernel)(*tuple(_d.values())))

</pallas_src>

<mosaic_0001>
#map = affine_map<(d0, d1) -> (0)>
#map1 = affine_map<(d0, d1) -> (0, 0)>
module attributes {stable_mosaic.version = 14 : i64} {
  func.func @_sc_onehot_t(%arg0: i32, %arg1: i32, %arg2: memref<16384xi32, #tpu.memory_space<hbm>>, %arg3: memref<1000x16384xf32, #tpu.memory_space<hbm>>, %arg4: memref<512xi32, #tpu.memory_space<vmem>>, %arg5: memref<1000x128xf32, #tpu.memory_space<vmem>>, %arg6: memref<!tpu.dma_semaphore, #tpu.memory_space<semaphore_mem>>) attributes {dimension_semantics = [#tpu.dimension_semantics<core_parallel>, #tpu.dimension_semantics<subcore_parallel>], iteration_bounds = array<i64: 2, 16>, scalar_prefetch = 0 : i64, scratch_operands = 3 : i64, tpu.core_type = #tpu.core_type<sc_vector_subcore>, window_params = [{transform_indices = #map}, {transform_indices = #map1}]} {
    %mul3A = arith.constant 2 : i32
    %mul3A_0 = arith.muli %arg1, %mul3A : i32
    %add3A = arith.addi %mul3A_0, %arg0 : i32
    %mul3A_1 = arith.constant 512 : i32
    %mul3A_2 = arith.muli %add3A, %mul3A_1 : i32
    %dma_start3A = tpu.memref_slice %arg2[%mul3A_2] : memref<16384xi32, #tpu.memory_space<hbm>> -> memref<512xi32, #tpu.memory_space<hbm>>
    %dma_start3A_3 = tpu.memref_slice %arg2[%mul3A_2] : memref<16384xi32, #tpu.memory_space<hbm>> -> memref<512xi32, #tpu.memory_space<hbm>>
    tpu.enqueue_dma source(%dma_start3A_3 : memref<512xi32, #tpu.memory_space<hbm>>) target(%arg4 : memref<512xi32, #tpu.memory_space<vmem>>) target_semaphore(%arg6 : memref<!tpu.dma_semaphore, #tpu.memory_space<semaphore_mem>>)
    %broadcast_in_dim3A = arith.constant 0.000000e+00 : f32
    %broadcast_in_dim3A_4 = vector.broadcast %broadcast_in_dim3A : f32 to vector<16xf32>
    %scan3A = arith.constant 0 : i32
    %scan3A_5 = arith.constant 0 : i32
    %scan3A_6 = arith.constant 1000 : i32
    %scan3A_7 = arith.addi %scan3A_5, %scan3A_6 : i32
    %scan3A_8 = arith.constant 1 : i32
    scf.for %scan3A_19 = %scan3A_5 to %scan3A_7 step %scan3A_8  : i32 {
      %swap3A = arith.index_cast %scan3A_19 : i32 to index
      %swap3A_20 = arith.constant 0 : index
      %swap3A_21 = tpu.vector_load %arg5[%swap3A, %swap3A_20] {strides = array<i32>} : memref<1000x128xf32, #tpu.memory_space<vmem>>, vector<16xf32>,
      tpu.vector_store %arg5[%swap3A, %swap3A_20], %broadcast_in_dim3A_4 {strides = array<i32>} : memref<1000x128xf32, #tpu.memory_space<vmem>>, vector<16xf32>,
      %swap3A_22 = arith.index_cast %scan3A_19 : i32 to index
      %swap3A_23 = arith.constant 16 : index
      %swap3A_24 = tpu.vector_load %arg5[%swap3A_22, %swap3A_23] {strides = array<i32>} : memref<1000x128xf32, #tpu.memory_space<vmem>>, vector<16xf32>,
      tpu.vector_store %arg5[%swap3A_22, %swap3A_23], %broadcast_in_dim3A_4 {strides = array<i32>} : memref<1000x128xf32, #tpu.memory_space<vmem>>, vector<16xf32>,
      %swap3A_25 = arith.index_cast %scan3A_19 : i32 to index
      %swap3A_26 = arith.constant 32 : index
      %swap3A_27 = tpu.vector_load %arg5[%swap3A_25, %swap3A_26] {strides = array<i32>} : memref<1000x128xf32, #tpu.memory_space<vmem>>, vector<16xf32>,
      tpu.vector_store %arg5[%swap3A_25, %swap3A_26], %broadcast_in_dim3A_4 {strides = array<i32>} : memref<1000x128xf32, #tpu.memory_space<vmem>>, vector<16xf32>,
      %swap3A_28 = arith.index_cast %scan3A_19 : i32 to index
      %swap3A_29 = arith.constant 48 : index
      %swap3A_30 = tpu.vector_load %arg5[%swap3A_28, %swap3A_29] {strides = array<i32>} : memref<1000x128xf32, #tpu.memory_space<vmem>>, vector<16xf32>,
      tpu.vector_store %arg5[%swap3A_28, %swap3A_29], %broadcast_in_dim3A_4 {strides = array<i32>} : memref<1000x128xf32, #tpu.memory_space<vmem>>, vector<16xf32>,
      %swap3A_31 = arith.index_cast %scan3A_19 : i32 to index
      %swap3A_32 = arith.constant 64 : index
      %swap3A_33 = tpu.vector_load %arg5[%swap3A_31, %swap3A_32] {strides = array<i32>} : memref<1000x128xf32, #tpu.memory_space<vmem>>, vector<16xf32>,
      tpu.vector_store %arg5[%swap3A_31, %swap3A_32], %broadcast_in_dim3A_4 {strides = array<i32>} : memref<1000x128xf32, #tpu.memory_space<vmem>>, vector<16xf32>,
      %swap3A_34 = arith.index_cast %scan3A_19 : i32 to index
      %swap3A_35 = arith.constant 80 : index
      %swap3A_36 = tpu.vector_load %arg5[%swap3A_34, %swap3A_35] {strides = array<i32>} : memref<1000x128xf32, #tpu.memory_space<vmem>>, vector<16xf32>,
      tpu.vector_store %arg5[%swap3A_34, %swap3A_35], %broadcast_in_dim3A_4 {strides = array<i32>} : memref<1000x128xf32, #tpu.memory_space<vmem>>, vector<16xf32>,
      %swap3A_37 = arith.index_cast %scan3A_19 : i32 to index
      %swap3A_38 = arith.constant 96 : index
      %swap3A_39 = tpu.vector_load %arg5[%swap3A_37, %swap3A_38] {strides = array<i32>} : memref<1000x128xf32, #tpu.memory_space<vmem>>, vector<16xf32>,
      tpu.vector_store %arg5[%swap3A_37, %swap3A_38], %broadcast_in_dim3A_4 {strides = array<i32>} : memref<1000x128xf32, #tpu.memory_space<vmem>>, vector<16xf32>,
      %swap3A_40 = arith.index_cast %scan3A_19 : i32 to index
      %swap3A_41 = arith.constant 112 : index
      %swap3A_42 = tpu.vector_load %arg5[%swap3A_40, %swap3A_41] {strides = array<i32>} : memref<1000x128xf32, #tpu.memory_space<vmem>>, vector<16xf32>,
      tpu.vector_store %arg5[%swap3A_40, %swap3A_41], %broadcast_in_dim3A_4 {strides = array<i32>} : memref<1000x128xf32, #tpu.memory_space<vmem>>, vector<16xf32>,
    }
    %scan3A_9 = arith.constant 1000 : i32
    %dma_wait3A = tpu.memref_slice %arg2[%mul3A_2] : memref<16384xi32, #tpu.memory_space<hbm>> -> memref<512xi32, #tpu.memory_space<hbm>>
    %dma_wait3A_10 = tpu.memref_slice %arg2[%mul3A_2] : memref<16384xi32, #tpu.memory_space<hbm>> -> memref<512xi32, #tpu.memory_space<hbm>>
    tpu.wait_dma2 semaphore(%arg6 : memref<!tpu.dma_semaphore, #tpu.memory_space<semaphore_mem>>) src(%dma_wait3A_10 : memref<512xi32, #tpu.memory_space<hbm>>) dst(%arg4 : memref<512xi32, #tpu.memory_space<vmem>>)
    %broadcast_in_dim3A_11 = arith.constant 1.000000e+00 : f32
    %broadcast_in_dim3A_12 = vector.broadcast %broadcast_in_dim3A_11 : f32 to vector<16xf32>
    %iota3A = tpu.iota {dimensions = array<i32: 0>} : vector<16xi32>
    %scan3A_13 = arith.constant 0 : i32
    %scan3A_14 = arith.constant 0 : i32
    %scan3A_15 = arith.constant 4 : i32
    %scan3A_16 = arith.addi %scan3A_14, %scan3A_15 : i32
    %scan3A_17 = arith.constant 1 : i32
    scf.for %scan3A_19 = %scan3A_14 to %scan3A_16 step %scan3A_17  : i32 {
      %mul3A_20 = arith.constant 128 : i32
      %mul3A_21 = arith.muli %scan3A_19, %mul3A_20 : i32
      %add3A_22 = arith.addi %mul3A_2, %mul3A_21 : i32
      %multiple_of3A = tpu.assume_multiple %add3A_22, 128 : i32
      %add3A_23 = arith.constant 0 : i32
      %add3A_24 = vector.broadcast %add3A_23 : i32 to vector<16xi32>
      %add3A_25 = arith.addi %iota3A, %add3A_24 : vector<16xi32>
      %mul3A_26 = arith.constant 128 : i32
      %mul3A_27 = arith.muli %scan3A_19, %mul3A_26 : i32
      %add3A_28 = arith.constant 0 : i32
      %add3A_29 = arith.addi %mul3A_27, %add3A_28 : i32
      %get3A = arith.index_cast %add3A_29 : i32 to index
      %get3A_30 = tpu.vector_load %arg4[%get3A] {strides = array<i32>} : memref<512xi32, #tpu.memory_space<vmem>>, vector<16xi32>,
      tpu.vector_store_idx %arg5[%get3A_30, %add3A_25], %broadcast_in_dim3A_12 : memref<1000x128xf32, #tpu.memory_space<vmem>>[vector<16xi32>, vector<16xi32>], vector<16xf32>,
      %add3A_31 = arith.constant 16 : i32
      %add3A_32 = vector.broadcast %add3A_31 : i32 to vector<16xi32>
      %add3A_33 = arith.addi %iota3A, %add3A_32 : vector<16xi32>
      %mul3A_34 = arith.constant 128 : i32
      %mul3A_35 = arith.muli %scan3A_19, %mul3A_34 : i32
      %add3A_36 = arith.constant 16 : i32
      %add3A_37 = arith.addi %mul3A_35, %add3A_36 : i32
      %get3A_38 = arith.index_cast %add3A_37 : i32 to index
      %get3A_39 = tpu.vector_load %arg4[%get3A_38] {strides = array<i32>} : memref<512xi32, #tpu.memory_space<vmem>>, vector<16xi32>,
      tpu.vector_store_idx %arg5[%get3A_39, %add3A_33], %broadcast_in_dim3A_12 : memref<1000x128xf32, #tpu.memory_space<vmem>>[vector<16xi32>, vector<16xi32>], vector<16xf32>,
      %add3A_40 = arith.constant 32 : i32
      %add3A_41 = vector.broadcast %add3A_40 : i32 to vector<16xi32>
      %add3A_42 = arith.addi %iota3A, %add3A_41 : vector<16xi32>
      %mul3A_43 = arith.constant 128 : i32
      %mul3A_44 = arith.muli %scan3A_19, %mul3A_43 : i32
      %add3A_45 = arith.constant 32 : i32
      %add3A_46 = arith.addi %mul3A_44, %add3A_45 : i32
      %get3A_47 = arith.index_cast %add3A_46 : i32 to index
      %get3A_48 = tpu.vector_load %arg4[%get3A_47] {strides = array<i32>} : memref<512xi32, #tpu.memory_space<vmem>>, vector<16xi32>,
      tpu.vector_store_idx %arg5[%get3A_48, %add3A_42], %broadcast_in_dim3A_12 : memref<1000x128xf32, #tpu.memory_space<vmem>>[vector<16xi32>, vector<16xi32>], vector<16xf32>,
      %add3A_49 = arith.constant 48 : i32
      %add3A_50 = vector.broadcast %add3A_49 : i32 to vector<16xi32>
      %add3A_51 = arith.addi %iota3A, %add3A_50 : vector<16xi32>
      %mul3A_52 = arith.constant 128 : i32
      %mul3A_53 = arith.muli %scan3A_19, %mul3A_52 : i32
      %add3A_54 = arith.constant 48 : i32
      %add3A_55 = arith.addi %mul3A_53, %add3A_54 : i32
      %get3A_56 = arith.index_cast %add3A_55 : i32 to index
      %get3A_57 = tpu.vector_load %arg4[%get3A_56] {strides = array<i32>} : memref<512xi32, #tpu.memory_space<vmem>>, vector<16xi32>,
      tpu.vector_store_idx %arg5[%get3A_57, %add3A_51], %broadcast_in_dim3A_12 : memref<1000x128xf32, #tpu.memory_space<vmem>>[vector<16xi32>, vector<16xi32>], vector<16xf32>,
      %add3A_58 = arith.constant 64 : i32
      %add3A_59 = vector.broadcast %add3A_58 : i32 to vector<16xi32>
      %add3A_60 = arith.addi %iota3A, %add3A_59 : vector<16xi32>
      %mul3A_61 = arith.constant 128 : i32
      %mul3A_62 = arith.muli %scan3A_19, %mul3A_61 : i32
      %add3A_63 = arith.constant 64 : i32
      %add3A_64 = arith.addi %mul3A_62, %add3A_63 : i32
      %get3A_65 = arith.index_cast %add3A_64 : i32 to index
      %get3A_66 = tpu.vector_load %arg4[%get3A_65] {strides = array<i32>} : memref<512xi32, #tpu.memory_space<vmem>>, vector<16xi32>,
      tpu.vector_store_idx %arg5[%get3A_66, %add3A_60], %broadcast_in_dim3A_12 : memref<1000x128xf32, #tpu.memory_space<vmem>>[vector<16xi32>, vector<16xi32>], vector<16xf32>,
      %add3A_67 = arith.constant 80 : i32
      %add3A_68 = vector.broadcast %add3A_67 : i32 to vector<16xi32>
      %add3A_69 = arith.addi %iota3A, %add3A_68 : vector<16xi32>
      %mul3A_70 = arith.constant 128 : i32
      %mul3A_71 = arith.muli %scan3A_19, %mul3A_70 : i32
      %add3A_72 = arith.constant 80 : i32
      %add3A_73 = arith.addi %mul3A_71, %add3A_72 : i32
      %get3A_74 = arith.index_cast %add3A_73 : i32 to index
      %get3A_75 = tpu.vector_load %arg4[%get3A_74] {strides = array<i32>} : memref<512xi32, #tpu.memory_space<vmem>>, vector<16xi32>,
      tpu.vector_store_idx %arg5[%get3A_75, %add3A_69], %broadcast_in_dim3A_12 : memref<1000x128xf32, #tpu.memory_space<vmem>>[vector<16xi32>, vector<16xi32>], vector<16xf32>,
      %add3A_76 = arith.constant 96 : i32
      %add3A_77 = vector.broadcast %add3A_76 : i32 to vector<16xi32>
      %add3A_78 = arith.addi %iota3A, %add3A_77 : vector<16xi32>
      %mul3A_79 = arith.constant 128 : i32
      %mul3A_80 = arith.muli %scan3A_19, %mul3A_79 : i32
      %add3A_81 = arith.constant 96 : i32
      %add3A_82 = arith.addi %mul3A_80, %add3A_81 : i32
      %get3A_83 = arith.index_cast %add3A_82 : i32 to index
      %get3A_84 = tpu.vector_load %arg4[%get3A_83] {strides = array<i32>} : memref<512xi32, #tpu.memory_space<vmem>>, vector<16xi32>,
      tpu.vector_store_idx %arg5[%get3A_84, %add3A_78], %broadcast_in_dim3A_12 : memref<1000x128xf32, #tpu.memory_space<vmem>>[vector<16xi32>, vector<16xi32>], vector<16xf32>,
      %add3A_85 = arith.constant 112 : i32
      %add3A_86 = vector.broadcast %add3A_85 : i32 to vector<16xi32>
      %add3A_87 = arith.addi %iota3A, %add3A_86 : vector<16xi32>
      %mul3A_88 = arith.constant 128 : i32
      %mul3A_89 = arith.muli %scan3A_19, %mul3A_88 : i32
      %add3A_90 = arith.constant 112 : i32
      %add3A_91 = arith.addi %mul3A_89, %add3A_90 : i32
      %get3A_92 = arith.index_cast %add3A_91 : i32 to index
      %get3A_93 = tpu.vector_load %arg4[%get3A_92] {strides = array<i32>} : memref<512xi32, #tpu.memory_space<vmem>>, vector<16xi32>,
      tpu.vector_store_idx %arg5[%get3A_93, %add3A_87], %broadcast_in_dim3A_12 : memref<1000x128xf32, #tpu.memory_space<vmem>>[vector<16xi32>, vector<16xi32>], vector<16xf32>,
      "tpu.region"() ({
        %run_scoped3A = tpu.sem_alloc : memref<!tpu.dma_semaphore, #tpu.memory_space<semaphore_mem>>
        %dma_start3A_94 = arith.constant 0 : i32
        %dma_start3A_95 = tpu.memref_slice %arg3[%dma_start3A_94, %multiple_of3A] : memref<1000x16384xf32, #tpu.memory_space<hbm>> -> memref<1000x128xf32, #tpu.memory_space<hbm>>
        %dma_start3A_96 = arith.constant 0 : i32
        %dma_start3A_97 = tpu.memref_slice %arg3[%dma_start3A_96, %multiple_of3A] : memref<1000x16384xf32, #tpu.memory_space<hbm>> -> memref<1000x128xf32, #tpu.memory_space<hbm>>
        tpu.enqueue_dma source(%arg5 : memref<1000x128xf32, #tpu.memory_space<vmem>>) target(%dma_start3A_97 : memref<1000x128xf32, #tpu.memory_space<hbm>>) target_semaphore(%run_scoped3A : memref<!tpu.dma_semaphore, #tpu.memory_space<semaphore_mem>>)
        %dma_wait3A_98 = arith.constant 0 : i32
        %dma_wait3A_99 = tpu.memref_slice %arg3[%dma_wait3A_98, %multiple_of3A] : memref<1000x16384xf32, #tpu.memory_space<hbm>> -> memref<1000x128xf32, #tpu.memory_space<hbm>>
        %dma_wait3A_100 = arith.constant 0 : i32
        %dma_wait3A_101 = tpu.memref_slice %arg3[%dma_wait3A_100, %multiple_of3A] : memref<1000x16384xf32, #tpu.memory_space<hbm>> -> memref<1000x128xf32, #tpu.memory_space<hbm>>
        tpu.wait_dma2 semaphore(%run_scoped3A : memref<!tpu.dma_semaphore, #tpu.memory_space<semaphore_mem>>) src(%arg5 : memref<1000x128xf32, #tpu.memory_space<vmem>>) dst(%dma_wait3A_101 : memref<1000x128xf32, #tpu.memory_space<hbm>>)
        tpu.yield
      }) : () -> ()
      tpu.vector_store_idx %arg5[%get3A_30, %add3A_25], %broadcast_in_dim3A_4 : memref<1000x128xf32, #tpu.memory_space<vmem>>[vector<16xi32>, vector<16xi32>], vector<16xf32>,
      tpu.vector_store_idx %arg5[%get3A_39, %add3A_33], %broadcast_in_dim3A_4 : memref<1000x128xf32, #tpu.memory_space<vmem>>[vector<16xi32>, vector<16xi32>], vector<16xf32>,
      tpu.vector_store_idx %arg5[%get3A_48, %add3A_42], %broadcast_in_dim3A_4 : memref<1000x128xf32, #tpu.memory_space<vmem>>[vector<16xi32>, vector<16xi32>], vector<16xf32>,
      tpu.vector_store_idx %arg5[%get3A_57, %add3A_51], %broadcast_in_dim3A_4 : memref<1000x128xf32, #tpu.memory_space<vmem>>[vector<16xi32>, vector<16xi32>], vector<16xf32>,
      tpu.vector_store_idx %arg5[%get3A_66, %add3A_60], %broadcast_in_dim3A_4 : memref<1000x128xf32, #tpu.memory_space<vmem>>[vector<16xi32>, vector<16xi32>], vector<16xf32>,
      tpu.vector_store_idx %arg5[%get3A_75, %add3A_69], %broadcast_in_dim3A_4 : memref<1000x128xf32, #tpu.memory_space<vmem>>[vector<16xi32>, vector<16xi32>], vector<16xf32>,
      tpu.vector_store_idx %arg5[%get3A_84, %add3A_78], %broadcast_in_dim3A_4 : memref<1000x128xf32, #tpu.memory_space<vmem>>[vector<16xi32>, vector<16xi32>], vector<16xf32>,
      tpu.vector_store_idx %arg5[%get3A_93, %add3A_87], %broadcast_in_dim3A_4 : memref<1000x128xf32, #tpu.memory_space<vmem>>[vector<16xi32>, vector<16xi32>], vector<16xf32>,
    }
    %scan3A_18 = arith.constant 4 : i32
    return
  }
}

</mosaic_0001>

<sc_bundles>
// kernel: kernel.3.cloned.1.call-start
scs
__scs_entry_jumppad:
0x0: {  	(pc) =	sbr.rel $0x88, $3  }
0x1: {  	(tag) =	ssettag $0x0;
	lr =	simm.s32 $0x1  }
0x2: {  	[smem:$0x3FA0] =	sst lr;
	_ =	strace $0xD0000000  }
0x3: {  	_ = 	snop  }
0x4: {  	_ = 	snop  }
0x5: {  	_ = 	snop  }
0x6: {  	_ = 	snop  }
0x7: {  	_ = 	snop  }
__scs_overlays_trampoline_lowered:
0x8: {  	[smem:$0x3FAF] =	sst s0  }
0x9: {  	[smem:$0x3FB0] =	sst s1  }
0xa: {  	[smem:$0x3FB1] =	sst s2  }
0xb: {  	[smem:$0x3FB2] =	sst s3  }
0xc: {  	[smem:$0x3FB3] =	sst s4  }
0xd: {  	[smem:$0x3FB4] =	sst s5  }
0xe: {  	[smem:$0x3FB5] =	sst s6  }
0xf: {  	[smem:$0x3FB6] =	sst s7  }
0x10: {  	[smem:$0x3FB7] =	sst s8  }
0x11: {  	[smem:$0x3FB8] =	sst s9;
	s0 =	simm.s32 @!p0 $0x0  }
0x12: {  	s1 =	sld [smem:$0x3F9E];
	s0 =	simm.s32 @p0 $0x1  }
0x13: {  	[smem:$0x3FB9] =	sst s0;
	s0 =	simm.s32 @!p1 $0x0  }
0x14: {  	s2 =	sld [smem:$0x3F9D];
	s0 =	simm.s32 @p1 $0x1  }
0x15: {  	[smem:$0x3FBA] =	sst s0;
	s0 =	simm.s32 @!p2 $0x0  }
0x16: {  	s3 =	sld [smem:$0x3FDB];
	s0 =	simm.s32 @p2 $0x1  }
0x17: {  	s4 =	simm.s32 $0x1BF5;
	[smem:$0x3FBC] =	sst s0  }
0x18: {  	s0 =	sld [smem:$0x3F9F];
	_ =	swait.ge [sflag:s4], $0x0  }
0x19: {  	s7 =	sld [smem:$0x3FA0]  }
0x1a: {  	s8 =	sadd.s32 $0xFFFFE003, lr  }
0x1b: {  	s9 =	sadd.s32 $0xFFFFFEF7, lr;
	s5 =	simm.s32 $0xFFFFFFFF;
	p2 =	slt.u32 s8, $0xFFFFF086  }
0x1c: {  	p1 =	slt.u32 s9, $0xF7A;
	s5 =	simm.s32 @!p2 $0x0  }
0x1d: {  	s5 =	simm.s32 @p1 $0x1;
	p0 =	seq.s32 s7, s2  }
0x1e: {  	s7 =	smul.u32 @!p0 $0xF7A, s2;
	p2 =	seq.s32 @!p0 s5, $0x0  }
0x1f: {  	s9 =	smul.u32 $0xF7A, s1;
	s8 =	simm.s32 @!p0 $0x1BF5;
	p2 =	por !p2, p0  }
0x20: {  	[sflag:s8] =	ssyncset.s32 @!p0 $0xFFFFF086;
	s6 =	sadd.s32 @!p0 s3, s7;
	s7 =	simm.s32 @!p0 $0x108  }
0x21: {  	s3 =	sadd.s32 s3, s9;
	s6 =	sadd.s32 @!p0 $0x88, s6;
	s7 =	simm.s32 @p2 $0x1082  }
0x22: {  	[simem:s7], [sflag:s8] =	dma.local @!p0 [hbm:s6], $0xF7A  }
0x23: {  	s9 =	sor.u32 $0xD0000000, s2;
	s6 =	simm.s32 $0x108;
	_ =	swait.ge @!p0 [sflag:s8], $0x0  }
0x24: {  	s3 =	sadd.s32 $0x88, s3;
	s6 =	simm.s32 @!p1 $0x1082;
	[sflag:s4] =	ssyncset.s32 $0xFFFFF086  }
0x25: {  	[simem:s6], [sflag:s4] =	dma.local [hbm:s3], $0xF7A  }
0x26: {  	[smem:$0x3FA0] =	sst s1;
	(tag) =	ssettag s2;
	_ =	strace s9  }
0x27: {  	s1 =	sld [smem:$0x3FB0]  }
0x28: {  	s2 =	sld [smem:$0x3FB1]  }
0x29: {  	s4 =	sld [smem:$0x3FB3]  }
0x2a: {  	p0 =	seq.s32 s5, $0x0;
	s5 =	sld [smem:$0x3FB4]  }
0x2b: {  	s6 =	sld [smem:$0x3FB5]  }
0x2c: {  	s7 =	sld [smem:$0x3FB6]  }
0x2d: {  	s3 =	simm.s32 $0x108;
	s8 =	sld [smem:$0x3FB7]  }
0x2e: {  	s3 =	simm.s32 @!p0 $0x1082;
	s9 =	sld [smem:$0x3FB8]  }
0x2f: {  	lr =	sadd.s32 s0, s3;
	s0 =	sld [smem:$0x3FAF]  }
0x30: {  	s3 =	sld [smem:$0x3FB2]  }
0x31: {  	[smem:$0x3FBB] =	sst s10  }
0x32: {  	s10 =	sld [smem:$0x3FB9];
	_ =	sdelay $0x3  }
0x33: {  	p0 =	seq.s32 s10, $0x1;
	s10 =	sld [smem:$0x3FBB];
	_ =	sdelay $0x3  }
0x34: {  	[smem:$0x3FBB] =	sst s10  }
0x35: {  	s10 =	sld [smem:$0x3FBA];
	_ =	sdelay $0x3  }
0x36: {  	p1 =	seq.s32 s10, $0x1;
	s10 =	sld [smem:$0x3FBB];
	_ =	sdelay $0x3  }
0x37: {  	[smem:$0x3FBB] =	sst s10  }
0x38: {  	s10 =	sld [smem:$0x3FBC]  }
0x39: {  	_ = 	snop;
	(pc) =	sbr.ind lr, $3  }
0x3a: {  	_ = 	snop  }
0x3b: {  	_ = 	snop  }
0x3c: {  	p2 =	seq.s32 s10, $0x1;
	s10 =	sld [smem:$0x3FBB]  }
0x3d: {  	_ =	shalt  }
0x3e: {  	_ =	shalt  }
0x3f: {  	_ =	shalt  }
0x40: {  	_ =	shalt  }
0x41: {  	_ =	shalt  }
0x42: {  	_ =	shalt  }
0x43: {  	_ =	shalt  }
0x44: {  	_ =	shalt  }
0x45: {  	_ =	shalt  }
0x46: {  	_ =	shalt  }
0x47: {  	_ =	shalt  }
0x48: {  	_ =	shalt  }
0x49: {  	_ =	shalt  }
0x4a: {  	_ =	shalt  }
0x4b: {  	_ =	shalt  }
0x4c: {  	_ =	shalt  }
0x4d: {  	_ =	shalt  }
0x4e: {  	_ =	shalt  }
0x4f: {  	_ =	shalt  }
0x50: {  	_ =	shalt  }
0x51: {  	_ =	shalt  }
0x52: {  	_ =	shalt  }
0x53: {  	_ =	shalt  }
0x54: {  	_ =	shalt  }
0x55: {  	_ =	shalt  }
0x56: {  	_ =	shalt  }
0x57: {  	_ =	shalt  }
0x58: {  	_ =	shalt  }
0x59: {  	_ =	shalt  }
0x5a: {  	_ =	shalt  }
0x5b: {  	_ =	shalt  }
0x5c: {  	_ =	shalt  }
0x5d: {  	_ =	shalt  }
0x5e: {  	_ =	shalt  }
0x5f: {  	_ =	shalt  }
0x60: {  	_ =	shalt  }
0x61: {  	_ =	shalt  }
0x62: {  	_ =	shalt  }
0x63: {  	_ =	shalt  }
0x64: {  	_ =	shalt  }
0x65: {  	_ =	shalt  }
0x66: {  	_ =	shalt  }
0x67: {  	_ =	shalt  }
0x68: {  	_ =	shalt  }
0x69: {  	_ =	shalt  }
0x6a: {  	_ =	shalt  }
0x6b: {  	_ =	shalt  }
0x6c: {  	_ =	shalt  }
0x6d: {  	_ =	shalt  }
0x6e: {  	_ =	shalt  }
0x6f: {  	_ =	shalt  }
0x70: {  	_ =	shalt  }
0x71: {  	_ =	shalt  }
0x72: {  	_ =	shalt  }
0x73: {  	_ =	shalt  }
0x74: {  	_ =	shalt  }
0x75: {  	_ =	shalt  }
0x76: {  	_ =	shalt  }
0x77: {  	_ =	shalt  }
0x78: {  	_ =	shalt  }
0x79: {  	_ =	shalt  }
0x7a: {  	_ =	shalt  }
0x7b: {  	_ =	shalt  }
0x7c: {  	_ =	shalt  }
0x7d: {  	_ =	shalt  }
0x7e: {  	_ =	shalt  }
0x7f: {  	_ =	shalt  }
0x80: {  	_ =	shalt  }
0x81: {  	_ =	shalt  }
0x82: {  	_ =	shalt  }
0x83: {  	_ =	shalt  }
0x84: {  	_ =	shalt  }
0x85: {  	_ =	shalt  }
0x86: {  	_ =	shalt  }
0x87: {  	_ =	shalt  }
.Lfunc_end0:
.L_simem_size_0:
called_computation_lowered:
.L_overlay_start_0:
0x88: {  	s2 =	sld [smem:$0x3FD9]  }
0x89: {  	s3 =	sld [smem:$0x3FFE];
	_ =	sdelay $0x1  }
0x8a: {  	s1 =	srdreg.scid  }
0x8b: {  	s0 =	sand.u32 $0x1, s1  }
0x8c: {  	s18 =	sshll.u32 s0, $0xA;
	s2 =	sadd.s32 s3, s2  }
0x8d: {  	s2 =	sadd.s32 s2, s18  }
0x8e: {  	[smem:$0x3FC7] =	sst s2  }
0x8f: {  	_ = 	snop  }
0x90: {  	s2 =	sld [smem:$0x3FC9]  }
0x91: {  	s19 =	sld [smem:$0x3FD0];
	(tm) =	ssettm $0x1  }
0x92: {  	s4 =	sld [smem:$0x3FFB];
	_ =	sdelay $0x3  }
0x93: {  	_ =	strace s4  }
0x94: {  	s4 =	sld [smem:$0x3FFC];
	_ =	sdelay $0x3  }
0x95: {  	_ =	strace s4  }
0x96: {  	s4 =	sld [smem:$0x3FFD];
	_ =	sdelay $0x3  }
0x97: {  	_ =	strace s4  }
0x98: {  	_ =	strace $0x8FFFFFFF  }
0x99: {  	s20 =	sld [smem:$0x3FDB];
	_ =	sdelay $0x1  }
0x9a: {  	s5 =	simm.s32 $_scs_section_size  }
0x9b: {  	s6 =	simm.s32 $_size__tile_overlayer_lowered;
	s7 =	simm.s32 $_tile_overlayer_lowered  }
0x9c: {  	s23 =	simm.s32 $0x1BFF;
	s22 =	sshll.u32 s7, $0x1;
	s4 =	sadd.s32 s5, s20  }
0x9d: {  	s8 =	simm.s32 $0x0;
	s21 =	sshll.u32 s6, $0x1;
	s6 =	sadd.s32 s22, s4  }
0x9e: {  	[timem:s8], [sflag:s23] =	dma.local [hbm:s6], s21  }
0x9f: {  	_ =	swait.ge [sflag:s23], s21  }
0xa0: {  	s5 =	ssub.s32 $0x0, s21;
	[sflag:s23] =	ssyncset.done $0x0  }
0xa1: {  	[sflag:s23] =	ssyncadd.s32 s5;
	_ =	sdelay $0x1  }
0xa2: {  	s24 =	simm.s32 $0x1B8B  }
0xa3: {  	_ =	swait.ge [sflag:s24], $0x1  }
0xa4: {  	[sflag:s24] =	ssyncset.done $0x0  }
0xa5: {  	s25 =	simm.s32 $0x1B8E;
	[sflag:s24] =	ssyncadd.s32 $0xFFFFFFFF  }
0xa6: {  	s26 =	simm.s32 $execute0_lowered;
	[smem:$0x3FD2] =	sst s25  }
0xa7: {  	s5 =	sshll.u32 s26, $0x1;
	_ =	strace $0x80000046;
	[dreg:$0x1] =	wrdreg $0xFFFFFFFF  }
0xa8: {  	s28 =	simm.s32 $_size_execute0_lowered;
	s4 =	sadd.s32 s4, s5;
	[dreg:$0x0] =	wrdreg $0x0  }
0xa9: {  	s5 =	sshll.u32 s28, $0x1;
	[dreg:$0x2] =	wrdreg s4  }
0xaa: {  	[dreg:$0x3] =	wrdreg s5  }
0xab: {  	[dreg:$0x4] =	wrdreg $0xC0  }
0xac: {  	_ =	task [dreg:s8], $0x5FFFF  }
0xad: {  	[dreg:$0x1] =	wrdreg $0xFFFFFFFF  }
0xae: {  	[dreg:$0x0] =	wrdreg $0x60  }
0xaf: {  	[dreg:$0x2] =	wrdreg s2  }
0xb0: {  	[dreg:$0x3] =	wrdreg s19  }
0xb1: {  	[dreg:$0x4] =	wrdreg $0x9  }
0xb2: {  	_ =	task.clear_ibuf [dreg:s8], $0x5FFFF;
	_ =	strace $0x90000046  }
0xb3: {  	s29 =	simm.s32 $0x9;
	_ =	strace $0x80000048  }
0xb4: {  	_ =	swait.ge [sflag:s29], $0x1  }
0xb5: {  	[sflag:s29] =	ssyncadd.s32 $0xFFFFFFFF  }
0xb6: {  	_ =	strace $0x90000048  }
0xb7: {  	_ =	sfence  }
0xb8: {  	s30 =	sld [smem:$0x0];
	_ =	sdelay $0x2  }
0xb9: {  	s31 =	sshll.u32 s1, $0xD;
	s1 =	sshrl.u32 s1, $0x2  }
0xba: {  	s3 =	sand.u32 $0x4000, s31;
	s1 =	sadd.s32 s1, s30  }
0xbb: {  	s0 =	sor.u32 s3, s0;
	s1 =	sshll.u32 s1, $0x11  }
0xbc: {  	s0 =	sor.u32 s1, s0  }
0xbd: {  	s0 =	sadd.s32 $0x8F2B, s0  }
0xbe: {  	[sflag:s0] =	ssyncadd.remote.s32 $0x1  }
0xbf: {  	_ =	sfence.sel $0xFFFF  }
0xc0: {  	[dreg:$0x0] =	wrdreg $0xFFFFFFFF;
	(pc) =	sbr.abs _section_cstart, $3  }
0xc1: {  	[dreg:$0x1] =	wrdreg $0xFFFFFFFF  }
0xc2: {  	_ =	task.clear_ibuf [dreg:s8], $0x2FFFF;
	_ =	strace $0x9FFFFFFF  }
0xc3: {  	(tm) =	ssettm $0x7FFFFFFF  }
tec
execute0_lowered:
.L_overlay_start_1:
0x0: {  	(tag) =	ssettag $0x1  }
0x1: {  	s3 =	rddreg [dreg:$0x0]  }
0x2: {  	s4 =	rddreg [dreg:$0x1]  }
0x3: {  	s0 =	rddreg [dreg:$0x2];
	s2 =	simm.s32 $0x0;
	s5 =	srdreg.scid  }
0x4: {  	s1 =	stileid.u32;
	s10 =	simm.s32 $0x2;
	s11 =	simm.s32 $0x0  }
0x5: {  	[smem:$0x7FF] =	sst s2;
	s5 =	sand.u32 $0x1, s5;
	s7 =	sshll.u32 s1, $0xA  }
0x6: {  	s6 =	ssub.s32 $0x2, s5;
	s5 =	sshll.u32 s5, $0x9;
	_ =	strace $0x80000047  }
0x7: {  	v0 =	vlaneseq.u32;
	s8 =	sshrl.u32 s6, $0x1;
	s9 =	sor.u32 s5, s7;
	s7 =	sadd.s32 s7, s4  }
0x8: {  	v1 =	vimm.f32 $0.0e+00;
	v2 =	vimm.f32 $1.000000000e+00;
	v3 =	vor.u32 $0x10, v0;
	s6 =	ssub.s32 s6, s8;
	s31 =	sshrl.u32 s9, $0x3;
	s5 =	sadd.s32 s5, s7  }
0x9: {  	v4 =	vor.u32 $0x20, v0;
	v5 =	vor.u32 $0x30, v0;
	v6 =	vor.u32 $0x40, v0;
	s7 =	simm.s32 $0x200;
	s8 =	simm.s32 $0x400;
	s9 =	simm.s32 $0x20000  }
0xa: {  	v7 =	vor.u32 $0x50, v0;
	v8 =	vor.u32 $0x60, v0;
	v9 =	vor.u32 $0x70, v0;
	s3 =	sadd.s32 s3, s31;
	s4 =	smax.u32 s6, $0x1;
	s6 =	simm.s32 $0x1  }
.LBB2_1:
0xb: {  	[tilespmem:s2], [sflag:$0x1] =	stream.linear.gather [hbm4b:s3+s2], $0x200, $0x38;
	[tilespmem:$0x1F600] =	vst v63  }
0xc: {  	s12 =	simm.s32 $0x0;
	s13 =	simm.s32 $0x200  }
.LBB2_2:
0xd: {  	p0 =	sne.s32 s13, $0x7CE00;
	[tilespmem:s12+$0x270] =	vst v1  }
0xe: {  	[tilespmem:s12+$0x200] =	vst v1  }
0xf: {  	[tilespmem:s12+$0x210] =	vst v1  }
.Ltmp0:
0x10: {  	[tilespmem:s12+$0x220] =	vst v1;
	(pc) =	sbr.rel @p0 .LBB2_2-.Ltmp0, $4  }
0x11: {  	[tilespmem:s12+$0x230] =	vst v1  }
0x12: {  	[tilespmem:s12+$0x240] =	vst v1  }
0x13: {  	[tilespmem:s12+$0x250] =	vst v1  }
0x14: {  	[tilespmem:s12+$0x260] =	vst v1;
	s12 =	sshra.s32 s13, $0x2;
	s13 =	sadd.s32 $0x200, s13  }
0x15: {  	[tilespmem:s12+$0x270] =	vst v1  }
0x16: {  	[tilespmem:s12+$0x200] =	vst v1  }
0x17: {  	[tilespmem:s12+$0x210] =	vst v1  }
0x18: {  	[tilespmem:s12+$0x220] =	vst v1  }
0x19: {  	[tilespmem:s12+$0x230] =	vst v1  }
0x1a: {  	[tilespmem:s12+$0x240] =	vst v1  }
0x1b: {  	[tilespmem:s12+$0x250] =	vst v1  }
0x1c: {  	[tilespmem:s12+$0x260] =	vst v1  }
0x1d: {  	_ =	swait.ge [sflag:s6], $0x200  }
0x1e: {  	[sflag:s6] =	ssyncset.done $0x0  }
0x1f: {  	s12 =	simm.s32 $0x0;
	s13 =	simm.s32 $0x40;
	[sflag:s6] =	ssyncadd.s32 $0xFFFFFE00  }
.LBB2_4:
0x20: {  	v10 =	vld [tilespmem:s13+$0xFFFFFFC0];
	_ =	sdelay $0x4  }
0x21: {  	v10 =	vshll.u32 v10, $0x7  }
0x22: {  	v10 =	vor.u32 v0, v10;
	_ =	sdelay $0x4  }
0x23: {  	[tilespmem:v10+s7+$0x0] =	vst.idx.msk $0xffff, v2  }
0x24: {  	v11 =	vld [tilespmem:s13+$0xFFFFFFD0];
	_ =	sdelay $0x4  }
0x25: {  	v11 =	vshll.u32 v11, $0x7  }
0x26: {  	v11 =	vor.u32 v3, v11;
	_ =	sdelay $0x4  }
0x27: {  	[tilespmem:v11+s7+$0x0] =	vst.idx.msk $0xffff, v2  }
0x28: {  	v12 =	vld [tilespmem:s13+$0xFFFFFFE0];
	_ =	sdelay $0x4  }
0x29: {  	v12 =	vshll.u32 v12, $0x7  }
0x2a: {  	v12 =	vor.u32 v4, v12;
	_ =	sdelay $0x4  }
0x2b: {  	[tilespmem:v12+s7+$0x0] =	vst.idx.msk $0xffff, v2  }
0x2c: {  	v13 =	vld [tilespmem:s13+$0xFFFFFFF0];
	_ =	sdelay $0x4  }
0x2d: {  	v13 =	vshll.u32 v13, $0x7  }
0x2e: {  	v13 =	vor.u32 v5, v13;
	_ =	sdelay $0x4  }
0x2f: {  	[tilespmem:v13+s7+$0x0] =	vst.idx.msk $0xffff, v2  }
0x30: {  	v14 =	vld [tilespmem:s13+$0x0];
	_ =	sdelay $0x4  }
0x31: {  	v14 =	vshll.u32 v14, $0x7  }
0x32: {  	v14 =	vor.u32 v6, v14;
	_ =	sdelay $0x4  }
0x33: {  	[tilespmem:v14+s7+$0x0] =	vst.idx.msk $0xffff, v2  }
0x34: {  	v15 =	vld [tilespmem:s13+$0x10];
	_ =	sdelay $0x4  }
0x35: {  	v15 =	vshll.u32 v15, $0x7  }
0x36: {  	v15 =	vor.u32 v7, v15;
	_ =	sdelay $0x4  }
0x37: {  	[tilespmem:v15+s7+$0x0] =	vst.idx.msk $0xffff, v2  }
0x38: {  	v16 =	vld [tilespmem:s13+$0x20];
	_ =	sdelay $0x4  }
0x39: {  	v16 =	vshll.u32 v16, $0x7  }
0x3a: {  	v16 =	vor.u32 v8, v16;
	_ =	sdelay $0x4  }
0x3b: {  	[tilespmem:v16+s7+$0x0] =	vst.idx.msk $0xffff, v2  }
0x3c: {  	v17 =	vld [tilespmem:s13+$0x30];
	_ =	sdelay $0x4  }
0x3d: {  	v17 =	vshll.u32 v17, $0x7  }
0x3e: {  	v17 =	vor.u32 v9, v17;
	_ =	sdelay $0x4  }
0x3f: {  	s14 =	sadd.s32 s12, s5;
	[tilespmem:v17+s7+$0x0] =	vst.idx.msk $0xffff, v2  }
0x40: {  	[hbm4b:s14+s8] =	stream.strided.scatter [tilespmem:s7], [sflag:$0x2], $0x1F400, s9, s8, $0x38;
	[tilespmem:$0x1F600] =	vst v63  }
0x41: {  	_ =	swait.ge [sflag:s10], $0x1F400  }
0x42: {  	[sflag:s10] =	ssyncset.done $0x0  }
0x43: {  	[sflag:s10] =	ssyncadd.s32 $0xFFFE0C00  }
0x44: {  	[tilespmem:v10+s7+$0x0] =	vst.idx.msk $0xffff, v1  }
0x45: {  	[tilespmem:v11+s7+$0x0] =	vst.idx.msk $0xffff, v1  }
0x46: {  	p0 =	sne.s32 s12, $0x180;
	[tilespmem:v12+s7+$0x0] =	vst.idx.msk $0xffff, v1  }
.Ltmp1:
0x47: {  	[tilespmem:v13+s7+$0x0] =	vst.idx.msk $0xffff, v1;
	(pc) =	sbr.rel @p0 .LBB2_4-.Ltmp1, $4  }
0x48: {  	[tilespmem:v14+s7+$0x0] =	vst.idx.msk $0xffff, v1  }
0x49: {  	[tilespmem:v15+s7+$0x0] =	vst.idx.msk $0xffff, v1  }
0x4a: {  	[tilespmem:v16+s7+$0x0] =	vst.idx.msk $0xffff, v1  }
0x4b: {  	s12 =	sadd.s32 $0x80, s12;
	s13 =	sadd.s32 $0x80, s13;
	[tilespmem:v17+s7+$0x0] =	vst.idx.msk $0xffff, v1  }
0x4c: {  	s11 =	sadd.s32 $0x1, s11  }
0x4d: {  	p0 =	sne.s32 s11, s4  }
.Ltmp2:
0x4e: {  	_ = 	snop;
	(pc) =	sbr.rel @p0 .LBB2_1-.Ltmp2, $1  }
0x4f: {  	_ =	sdelay $0x3  }
0x50: {  	_ =	sfence.sel $0x180000  }
0x51: {  	[bflag:$0x0] =	sbarrier.arrive $0xFFFF  }
0x52: {  	p0 =	sne.s32 s1, $0x0;
	_ =	strace $0x90000047  }
0x53: {  	s0 =	sadd.s32 @!p0 $0x100000, s0;
	[bflag:$0x2] =	sbarrier.arrive $0xFFFF  }
0x54: {  	[sflag:s0] =	ssyncadd.tile.s32 @!p0 $0x1;
	_ =	shalt  }
.Lfunc_end2:
_tile_overlayer_lowered:
.L_overlay_start_2:
0x55: {  	(tag) =	ssettag $0x2  }
0x56: {  	s0 =	rddreg [dreg:$0x0];
	s2 =	stileid.u32  }
0x57: {  	s1 =	rddreg [dreg:$0x1];
	p0 =	sne.s32 s2, $0x0  }
0x58: {  	s3 =	rddreg [dreg:$0x2];
	[bflag:$0x3] =	sbarrier.arrive $0xFFFF;
	s2 =	simm.s32 @!p0 $0x1C02  }
0x59: {  	[timem:s3], [sflag:s2] =	dma.local @!p0 [hbm:s0], s1  }
0x5a: {  	s0 =	simm.s32 @!p0 $0x2  }
0x5b: {  	_ =	swait.ge @!p0 [sflag:s0], s1  }
0x5c: {  	s1 =	ssub.s32 @!p0 $0x0, s1;
	[sflag:s0] =	ssyncset.done @!p0 $0x0  }
0x5d: {  	[sflag:s0] =	ssyncadd.s32 @!p0 s1  }
0x5e: {  	[bflag:$0x3] =	sbarrier.arrive $0xFFFF  }
0x5f: {  	_ =	shalt  }

</sc_bundles>
